<compile_context>
chip_gen: v7x
topology: tpu7x:2x2x1
jax: 0.10.2.dev20260603
libtpu: 0.0.44.dev20260713+nightly
codegen_flags: <defaults>
</compile_context>

<pallas_src>
import functools

import jax
import jax.numpy as jnp
from jax import lax
from jax.experimental import pallas as pl
from jax.experimental.pallas import tpu as pltpu
from jax.experimental.pallas import tpu_sc as plsc

N = 10000
K = 32
C = 128

NC = 2
NS = 16
NW = NC * NS
CH = 64
NCH = 5
NPT = CH * NCH
NPAD = NW * NPT


def _sc_agg_kernel(x_hbm, idx_hbm, out_hbm, idx_v, acc, sem):
    wid = lax.axis_index("s") * NC + lax.axis_index("c")
    base = wid * NPT

    pltpu.sync_copy(idx_hbm.at[wid], idx_v)

    descs = []
    for c in range(NCH):
        descs.append(
            pltpu.async_copy(x_hbm.at[idx_v.at[0, c]],
                             acc.at[pl.ds(c * CH, CH)], sem))
    for d in descs:
        d.wait()

    def body(k, carry):
        ds = []
        for c in range(NCH):
            ds.append(
                pltpu.async_copy(x_hbm.at[idx_v.at[k, c]],
                                 acc.at[pl.ds(c * CH, CH)], sem, add=True))
        for d in ds:
            d.wait()
        return carry

    lax.fori_loop(1, K, body, 0, unroll=False)

    pltpu.sync_copy(acc, out_hbm.at[pl.ds(base, NPT)])


def _sc_agg(x2d, idx_arr):
    mesh = plsc.VectorSubcoreMesh(core_axis_name="c", subcore_axis_name="s")
    f = pl.kernel(
        _sc_agg_kernel,
        out_type=jax.ShapeDtypeStruct((NPAD, C), jnp.float32),
        mesh=mesh,
        scratch_types=[
            pltpu.VMEM((K, NCH, CH), jnp.int32),
            pltpu.VMEM((NPT, C), jnp.float32),
            pltpu.SemaphoreType.DMA,
        ],
    )
    return f(x2d, idx_arr)


ROWS = 1000


def _mlp_body(scale_ref, x_ref, agg_ref, w_ref, b_ref, o_ref):
    h = scale_ref[0] * x_ref[...] + agg_ref[...]
    y = lax.dot_general(h, w_ref[...], (((1,), (1,)), ((), ())),
                        preferred_element_type=jnp.float32)
    o_ref[...] = jnp.maximum(y + b_ref[...], 0.0)


def _mlp(scale, x2d, agg, w, b2d):
    grid = (N // ROWS,)
    return pl.pallas_call(
        _mlp_body,
        grid=grid,
        in_specs=[
            pl.BlockSpec(memory_space=pltpu.SMEM),
            pl.BlockSpec((ROWS, C), lambda i: (i, 0)),
            pl.BlockSpec((ROWS, C), lambda i: (i, 0)),
            pl.BlockSpec((C, C), lambda i: (0, 0)),
            pl.BlockSpec((1, C), lambda i: (0, 0)),
        ],
        out_specs=pl.BlockSpec((ROWS, C), lambda i: (i, 0)),
        out_shape=jax.ShapeDtypeStruct((N, C), jnp.float32),
    )(scale, x2d, agg, w, b2d)


def kernel(x, edge_index, eps, W, b):
    x2d = x[0]
    idx = edge_index[0, 0]
    idx_pad = jnp.pad(idx, ((0, NPAD - N), (0, 0)))
    idx_arr = idx_pad.reshape(NW, NCH, CH, K).transpose(0, 3, 1, 2)

    agg = _sc_agg(x2d, idx_arr)[:N]

    scale = (1.0 + eps).reshape(1)
    out2d = _mlp(scale, x2d, agg, W, b.reshape(1, C))
    return out2d.reshape(1, N, C)

# --- scband reference (transcript-rebuilt; emitter-appended) ---
"""Pipeline reference for scband-ginconv1d-74002286510472 (READ-ONLY COPY).

The authoritative reference and input builder live on the scoring server;
editing this copy changes nothing except your own understanding.
"""

import jax, jax.numpy as jnp
import numpy as np

B, N, K, C_IN, C_OUT = 1, 10000, 32, 128, 128


def setup_inputs(seed: int = 0) -> dict:
    key = jax.random.key(seed)
    k1, k2, k3, k4 = jax.random.split(key, 4)
    x = jax.random.normal(k1, (B, N, C_IN), dtype=jnp.float32)
    edge_index = jax.random.randint(k2, (2, B, N, K), 0, N, dtype=jnp.int32)
    # Learned parameters: GIN eps scalar + single-layer MLP (Linear + ReLU)
    eps = jnp.zeros((1,), dtype=jnp.float32)
    W = jax.random.normal(k3, (C_OUT, C_IN), dtype=jnp.float32) * (1.0 / np.sqrt(C_IN))
    b = jnp.zeros((C_OUT,), dtype=jnp.float32)
    return {"x": x, "edge_index": edge_index, "eps": eps, "W": W, "b": b}


def reference(x, edge_index, eps, W, b):
    # x: [B, N, C]; edge_index: [2, B, N, K] with neighbor ids in [0, N)
    # batched_index_select: gather neighbor features -> [B, N, K, C]
    idx = edge_index[0]
    batch_idx = jnp.arange(x.shape[0])[:, None, None]
    x_j = x[batch_idx, idx]  # gather over node axis
    # sum over neighbors (k axis) -> [B, N, C]
    agg = jnp.sum(x_j, axis=2)
    # GIN update: (1 + eps) * x + sum_j x_j, then MLP (Linear + ReLU)
    h = (1.0 + eps[0]) * x + agg
    out = h @ W.T + b
    return jax.nn.relu(out)

if __name__ == "__main__":
    import jax
    _d = setup_inputs()
    print(jax.jit(kernel)(*tuple(_d.values())))

</pallas_src>

<mosaic_0001>
#map = affine_map<(d0, d1) -> (0, 0)>
#map1 = affine_map<(d0, d1) -> (0, 0, 0, 0)>
module attributes {stable_mosaic.version = 14 : i64} {
  func.func @_sc_agg_kernel(%arg0: i32, %arg1: i32, %arg2: memref<10000x128xf32, #tpu.memory_space<hbm>>, %arg3: memref<32x32x5x64xi32, #tpu.memory_space<hbm>>, %arg4: memref<10240x128xf32, #tpu.memory_space<hbm>>, %arg5: memref<32x5x64xi32, #tpu.memory_space<vmem>>, %arg6: memref<320x128xf32, #tpu.memory_space<vmem>>, %arg7: memref<!tpu.dma_semaphore, #tpu.memory_space<semaphore_mem>>) attributes {dimension_semantics = [#tpu.dimension_semantics<core_parallel>, #tpu.dimension_semantics<subcore_parallel>], iteration_bounds = array<i64: 2, 16>, scalar_prefetch = 0 : i64, scratch_operands = 3 : i64, tpu.core_type = #tpu.core_type<sc_vector_subcore>, window_params = [{transform_indices = #map}, {transform_indices = #map1}, {transform_indices = #map}]} {
    %mul3A = arith.constant 2 : i32
    %mul3A_0 = arith.muli %arg1, %mul3A : i32
    %add3A = arith.addi %mul3A_0, %arg0 : i32
    %mul3A_1 = arith.constant 320 : i32
    %mul3A_2 = arith.muli %add3A, %mul3A_1 : i32
    "tpu.region"() ({
      %run_scoped3A = tpu.sem_alloc : memref<!tpu.dma_semaphore, #tpu.memory_space<semaphore_mem>>
      %dma_start3A_116 = arith.constant 0 : i32
      %dma_start3A_117 = arith.constant 0 : i32
      %dma_start3A_118 = arith.constant 0 : i32
      %dma_start3A_119 = tpu.memref_slice %arg3[%add3A, %dma_start3A_116, %dma_start3A_117, %dma_start3A_118] : memref<32x32x5x64xi32, #tpu.memory_space<hbm>> -> memref<1x32x5x64xi32, #tpu.memory_space<hbm>>
      %dma_start3A_120 = tpu.memref_squeeze %dma_start3A_119 : memref<1x32x5x64xi32, #tpu.memory_space<hbm>> -> memref<32x5x64xi32, #tpu.memory_space<hbm>>
      %dma_start3A_121 = arith.constant 0 : i32
      %dma_start3A_122 = arith.constant 0 : i32
      %dma_start3A_123 = arith.constant 0 : i32
      %dma_start3A_124 = tpu.memref_slice %arg3[%add3A, %dma_start3A_121, %dma_start3A_122, %dma_start3A_123] : memref<32x32x5x64xi32, #tpu.memory_space<hbm>> -> memref<1x32x5x64xi32, #tpu.memory_space<hbm>>
      %dma_start3A_125 = tpu.memref_squeeze %dma_start3A_124 : memref<1x32x5x64xi32, #tpu.memory_space<hbm>> -> memref<32x5x64xi32, #tpu.memory_space<hbm>>
      tpu.enqueue_dma source(%dma_start3A_125 : memref<32x5x64xi32, #tpu.memory_space<hbm>>) target(%arg5 : memref<32x5x64xi32, #tpu.memory_space<vmem>>) target_semaphore(%run_scoped3A : memref<!tpu.dma_semaphore, #tpu.memory_space<semaphore_mem>>)
      %dma_wait3A_126 = arith.constant 0 : i32
      %dma_wait3A_127 = arith.constant 0 : i32
      %dma_wait3A_128 = arith.constant 0 : i32
      %dma_wait3A_129 = tpu.memref_slice %arg3[%add3A, %dma_wait3A_126, %dma_wait3A_127, %dma_wait3A_128] : memref<32x32x5x64xi32, #tpu.memory_space<hbm>> -> memref<1x32x5x64xi32, #tpu.memory_space<hbm>>
      %dma_wait3A_130 = tpu.memref_squeeze %dma_wait3A_129 : memref<1x32x5x64xi32, #tpu.memory_space<hbm>> -> memref<32x5x64xi32, #tpu.memory_space<hbm>>
      %dma_wait3A_131 = arith.constant 0 : i32
      %dma_wait3A_132 = arith.constant 0 : i32
      %dma_wait3A_133 = arith.constant 0 : i32
      %dma_wait3A_134 = tpu.memref_slice %arg3[%add3A, %dma_wait3A_131, %dma_wait3A_132, %dma_wait3A_133] : memref<32x32x5x64xi32, #tpu.memory_space<hbm>> -> memref<1x32x5x64xi32, #tpu.memory_space<hbm>>
      %dma_wait3A_135 = tpu.memref_squeeze %dma_wait3A_134 : memref<1x32x5x64xi32, #tpu.memory_space<hbm>> -> memref<32x5x64xi32, #tpu.memory_space<hbm>>
      tpu.wait_dma2 semaphore(%run_scoped3A : memref<!tpu.dma_semaphore, #tpu.memory_space<semaphore_mem>>) src(%dma_wait3A_135 : memref<32x5x64xi32, #tpu.memory_space<hbm>>) dst(%arg5 : memref<32x5x64xi32, #tpu.memory_space<vmem>>)
      tpu.yield
    }) : () -> ()
    %dma_start3A = arith.constant 0 : i32
    %dma_start3A_3 = arith.constant 0 : i32
    %dma_start3A_4 = arith.constant 0 : i32
    %dma_start3A_5 = arith.constant 0 : i32
    %dma_start3A_6 = tpu.memref_slice %arg6[%dma_start3A_4, %dma_start3A_5] : memref<320x128xf32, #tpu.memory_space<vmem>> -> memref<64x128xf32, #tpu.memory_space<vmem>>
    %dma_start3A_7 = arith.constant 0 : i32
    %dma_start3A_8 = tpu.memref_slice %arg5[%dma_start3A, %dma_start3A_3, %dma_start3A_7] : memref<32x5x64xi32, #tpu.memory_space<vmem>> -> memref<1x1x64xi32, #tpu.memory_space<vmem>>
    %dma_start3A_9 = tpu.memref_squeeze %dma_start3A_8 : memref<1x1x64xi32, #tpu.memory_space<vmem>> -> memref<64xi32, #tpu.memory_space<vmem>>
    %dma_start3A_10 = arith.constant 0 : i32
    %dma_start3A_11 = arith.constant 0 : i32
    %dma_start3A_12 = tpu.memref_slice %arg2[%dma_start3A_10, %dma_start3A_11] : memref<10000x128xf32, #tpu.memory_space<hbm>> -> memref<10000x128xf32, #tpu.memory_space<hbm>>
    tpu.enqueue_indirect_dma source(%dma_start3A_12 : memref<10000x128xf32, #tpu.memory_space<hbm>>) target(%dma_start3A_6 : memref<64x128xf32, #tpu.memory_space<vmem>>) offsets(%dma_start3A_9 : memref<64xi32, #tpu.memory_space<vmem>>) semaphore(%arg7 : memref<!tpu.dma_semaphore, #tpu.memory_space<semaphore_mem>>)
    %dma_start3A_13 = arith.constant 0 : i32
    %dma_start3A_14 = arith.constant 1 : i32
    %dma_start3A_15 = arith.constant 64 : i32
    %dma_start3A_16 = arith.constant 0 : i32
    %dma_start3A_17 = tpu.memref_slice %arg6[%dma_start3A_15, %dma_start3A_16] : memref<320x128xf32, #tpu.memory_space<vmem>> -> memref<64x128xf32, #tpu.memory_space<vmem>>
    %dma_start3A_18 = arith.constant 0 : i32
    %dma_start3A_19 = tpu.memref_slice %arg5[%dma_start3A_13, %dma_start3A_14, %dma_start3A_18] : memref<32x5x64xi32, #tpu.memory_space<vmem>> -> memref<1x1x64xi32, #tpu.memory_space<vmem>>
    %dma_start3A_20 = tpu.memref_squeeze %dma_start3A_19 : memref<1x1x64xi32, #tpu.memory_space<vmem>> -> memref<64xi32, #tpu.memory_space<vmem>>
    %dma_start3A_21 = arith.constant 0 : i32
    %dma_start3A_22 = arith.constant 0 : i32
    %dma_start3A_23 = tpu.memref_slice %arg2[%dma_start3A_21, %dma_start3A_22] : memref<10000x128xf32, #tpu.memory_space<hbm>> -> memref<10000x128xf32, #tpu.memory_space<hbm>>
    tpu.enqueue_indirect_dma source(%dma_start3A_23 : memref<10000x128xf32, #tpu.memory_space<hbm>>) target(%dma_start3A_17 : memref<64x128xf32, #tpu.memory_space<vmem>>) offsets(%dma_start3A_20 : memref<64xi32, #tpu.memory_space<vmem>>) semaphore(%arg7 : memref<!tpu.dma_semaphore, #tpu.memory_space<semaphore_mem>>)
    %dma_start3A_24 = arith.constant 0 : i32
    %dma_start3A_25 = arith.constant 2 : i32
    %dma_start3A_26 = arith.constant 128 : i32
    %dma_start3A_27 = arith.constant 0 : i32
    %dma_start3A_28 = tpu.memref_slice %arg6[%dma_start3A_26, %dma_start3A_27] : memref<320x128xf32, #tpu.memory_space<vmem>> -> memref<64x128xf32, #tpu.memory_space<vmem>>
    %dma_start3A_29 = arith.constant 0 : i32
    %dma_start3A_30 = tpu.memref_slice %arg5[%dma_start3A_24, %dma_start3A_25, %dma_start3A_29] : memref<32x5x64xi32, #tpu.memory_space<vmem>> -> memref<1x1x64xi32, #tpu.memory_space<vmem>>
    %dma_start3A_31 = tpu.memref_squeeze %dma_start3A_30 : memref<1x1x64xi32, #tpu.memory_space<vmem>> -> memref<64xi32, #tpu.memory_space<vmem>>
    %dma_start3A_32 = arith.constant 0 : i32
    %dma_start3A_33 = arith.constant 0 : i32
    %dma_start3A_34 = tpu.memref_slice %arg2[%dma_start3A_32, %dma_start3A_33] : memref<10000x128xf32, #tpu.memory_space<hbm>> -> memref<10000x128xf32, #tpu.memory_space<hbm>>
    tpu.enqueue_indirect_dma source(%dma_start3A_34 : memref<10000x128xf32, #tpu.memory_space<hbm>>) target(%dma_start3A_28 : memref<64x128xf32, #tpu.memory_space<vmem>>) offsets(%dma_start3A_31 : memref<64xi32, #tpu.memory_space<vmem>>) semaphore(%arg7 : memref<!tpu.dma_semaphore, #tpu.memory_space<semaphore_mem>>)
    %dma_start3A_35 = arith.constant 0 : i32
    %dma_start3A_36 = arith.constant 3 : i32
    %dma_start3A_37 = arith.constant 192 : i32
    %dma_start3A_38 = arith.constant 0 : i32
    %dma_start3A_39 = tpu.memref_slice %arg6[%dma_start3A_37, %dma_start3A_38] : memref<320x128xf32, #tpu.memory_space<vmem>> -> memref<64x128xf32, #tpu.memory_space<vmem>>
    %dma_start3A_40 = arith.constant 0 : i32
    %dma_start3A_41 = tpu.memref_slice %arg5[%dma_start3A_35, %dma_start3A_36, %dma_start3A_40] : memref<32x5x64xi32, #tpu.memory_space<vmem>> -> memref<1x1x64xi32, #tpu.memory_space<vmem>>
    %dma_start3A_42 = tpu.memref_squeeze %dma_start3A_41 : memref<1x1x64xi32, #tpu.memory_space<vmem>> -> memref<64xi32, #tpu.memory_space<vmem>>
    %dma_start3A_43 = arith.constant 0 : i32
    %dma_start3A_44 = arith.constant 0 : i32
    %dma_start3A_45 = tpu.memref_slice %arg2[%dma_start3A_43, %dma_start3A_44] : memref<10000x128xf32, #tpu.memory_space<hbm>> -> memref<10000x128xf32, #tpu.memory_space<hbm>>
    tpu.enqueue_indirect_dma source(%dma_start3A_45 : memref<10000x128xf32, #tpu.memory_space<hbm>>) target(%dma_start3A_39 : memref<64x128xf32, #tpu.memory_space<vmem>>) offsets(%dma_start3A_42 : memref<64xi32, #tpu.memory_space<vmem>>) semaphore(%arg7 : memref<!tpu.dma_semaphore, #tpu.memory_space<semaphore_mem>>)
    %dma_start3A_46 = arith.constant 0 : i32
    %dma_start3A_47 = arith.constant 4 : i32
    %dma_start3A_48 = arith.constant 256 : i32
    %dma_start3A_49 = arith.constant 0 : i32
    %dma_start3A_50 = tpu.memref_slice %arg6[%dma_start3A_48, %dma_start3A_49] : memref<320x128xf32, #tpu.memory_space<vmem>> -> memref<64x128xf32, #tpu.memory_space<vmem>>
    %dma_start3A_51 = arith.constant 0 : i32
    %dma_start3A_52 = tpu.memref_slice %arg5[%dma_start3A_46, %dma_start3A_47, %dma_start3A_51] : memref<32x5x64xi32, #tpu.memory_space<vmem>> -> memref<1x1x64xi32, #tpu.memory_space<vmem>>
    %dma_start3A_53 = tpu.memref_squeeze %dma_start3A_52 : memref<1x1x64xi32, #tpu.memory_space<vmem>> -> memref<64xi32, #tpu.memory_space<vmem>>
    %dma_start3A_54 = arith.constant 0 : i32
    %dma_start3A_55 = arith.constant 0 : i32
    %dma_start3A_56 = tpu.memref_slice %arg2[%dma_start3A_54, %dma_start3A_55] : memref<10000x128xf32, #tpu.memory_space<hbm>> -> memref<10000x128xf32, #tpu.memory_space<hbm>>
    tpu.enqueue_indirect_dma source(%dma_start3A_56 : memref<10000x128xf32, #tpu.memory_space<hbm>>) target(%dma_start3A_50 : memref<64x128xf32, #tpu.memory_space<vmem>>) offsets(%dma_start3A_53 : memref<64xi32, #tpu.memory_space<vmem>>) semaphore(%arg7 : memref<!tpu.dma_semaphore, #tpu.memory_space<semaphore_mem>>)
    %dma_wait3A = arith.constant 0 : i32
    %dma_wait3A_57 = arith.constant 0 : i32
    %dma_wait3A_58 = arith.constant 0 : i32
    %dma_wait3A_59 = arith.constant 0 : i32
    %dma_wait3A_60 = tpu.memref_slice %arg6[%dma_wait3A_58, %dma_wait3A_59] : memref<320x128xf32, #tpu.memory_space<vmem>> -> memref<64x128xf32, #tpu.memory_space<vmem>>
    %dma_wait3A_61 = arith.constant 0 : i32
    %dma_wait3A_62 = tpu.memref_slice %arg5[%dma_wait3A, %dma_wait3A_57, %dma_wait3A_61] : memref<32x5x64xi32, #tpu.memory_space<vmem>> -> memref<1x1x64xi32, #tpu.memory_space<vmem>>
    %dma_wait3A_63 = tpu.memref_squeeze %dma_wait3A_62 : memref<1x1x64xi32, #tpu.memory_space<vmem>> -> memref<64xi32, #tpu.memory_space<vmem>>
    %dma_wait3A_64 = arith.constant 0 : i32
    %dma_wait3A_65 = arith.constant 0 : i32
    %dma_wait3A_66 = tpu.memref_slice %arg2[%dma_wait3A_64, %dma_wait3A_65] : memref<10000x128xf32, #tpu.memory_space<hbm>> -> memref<10000x128xf32, #tpu.memory_space<hbm>>
    tpu.wait_indirect_dma semaphore(%arg7 : memref<!tpu.dma_semaphore, #tpu.memory_space<semaphore_mem>>) src(%dma_wait3A_66 : memref<10000x128xf32, #tpu.memory_space<hbm>>) dst(%dma_wait3A_60 : memref<64x128xf32, #tpu.memory_space<vmem>>)
    %dma_wait3A_67 = arith.constant 0 : i32
    %dma_wait3A_68 = arith.constant 1 : i32
    %dma_wait3A_69 = arith.constant 64 : i32
    %dma_wait3A_70 = arith.constant 0 : i32
    %dma_wait3A_71 = tpu.memref_slice %arg6[%dma_wait3A_69, %dma_wait3A_70] : memref<320x128xf32, #tpu.memory_space<vmem>> -> memref<64x128xf32, #tpu.memory_space<vmem>>
    %dma_wait3A_72 = arith.constant 0 : i32
    %dma_wait3A_73 = tpu.memref_slice %arg5[%dma_wait3A_67, %dma_wait3A_68, %dma_wait3A_72] : memref<32x5x64xi32, #tpu.memory_space<vmem>> -> memref<1x1x64xi32, #tpu.memory_space<vmem>>
    %dma_wait3A_74 = tpu.memref_squeeze %dma_wait3A_73 : memref<1x1x64xi32, #tpu.memory_space<vmem>> -> memref<64xi32, #tpu.memory_space<vmem>>
    %dma_wait3A_75 = arith.constant 0 : i32
    %dma_wait3A_76 = arith.constant 0 : i32
    %dma_wait3A_77 = tpu.memref_slice %arg2[%dma_wait3A_75, %dma_wait3A_76] : memref<10000x128xf32, #tpu.memory_space<hbm>> -> memref<10000x128xf32, #tpu.memory_space<hbm>>
    tpu.wait_indirect_dma semaphore(%arg7 : memref<!tpu.dma_semaphore, #tpu.memory_space<semaphore_mem>>) src(%dma_wait3A_77 : memref<10000x128xf32, #tpu.memory_space<hbm>>) dst(%dma_wait3A_71 : memref<64x128xf32, #tpu.memory_space<vmem>>)
    %dma_wait3A_78 = arith.constant 0 : i32
    %dma_wait3A_79 = arith.constant 2 : i32
    %dma_wait3A_80 = arith.constant 128 : i32
    %dma_wait3A_81 = arith.constant 0 : i32
    %dma_wait3A_82 = tpu.memref_slice %arg6[%dma_wait3A_80, %dma_wait3A_81] : memref<320x128xf32, #tpu.memory_space<vmem>> -> memref<64x128xf32, #tpu.memory_space<vmem>>
    %dma_wait3A_83 = arith.constant 0 : i32
    %dma_wait3A_84 = tpu.memref_slice %arg5[%dma_wait3A_78, %dma_wait3A_79, %dma_wait3A_83] : memref<32x5x64xi32, #tpu.memory_space<vmem>> -> memref<1x1x64xi32, #tpu.memory_space<vmem>>
    %dma_wait3A_85 = tpu.memref_squeeze %dma_wait3A_84 : memref<1x1x64xi32, #tpu.memory_space<vmem>> -> memref<64xi32, #tpu.memory_space<vmem>>
    %dma_wait3A_86 = arith.constant 0 : i32
    %dma_wait3A_87 = arith.constant 0 : i32
    %dma_wait3A_88 = tpu.memref_slice %arg2[%dma_wait3A_86, %dma_wait3A_87] : memref<10000x128xf32, #tpu.memory_space<hbm>> -> memref<10000x128xf32, #tpu.memory_space<hbm>>
    tpu.wait_indirect_dma semaphore(%arg7 : memref<!tpu.dma_semaphore, #tpu.memory_space<semaphore_mem>>) src(%dma_wait3A_88 : memref<10000x128xf32, #tpu.memory_space<hbm>>) dst(%dma_wait3A_82 : memref<64x128xf32, #tpu.memory_space<vmem>>)
    %dma_wait3A_89 = arith.constant 0 : i32
    %dma_wait3A_90 = arith.constant 3 : i32
    %dma_wait3A_91 = arith.constant 192 : i32
    %dma_wait3A_92 = arith.constant 0 : i32
    %dma_wait3A_93 = tpu.memref_slice %arg6[%dma_wait3A_91, %dma_wait3A_92] : memref<320x128xf32, #tpu.memory_space<vmem>> -> memref<64x128xf32, #tpu.memory_space<vmem>>
    %dma_wait3A_94 = arith.constant 0 : i32
    %dma_wait3A_95 = tpu.memref_slice %arg5[%dma_wait3A_89, %dma_wait3A_90, %dma_wait3A_94] : memref<32x5x64xi32, #tpu.memory_space<vmem>> -> memref<1x1x64xi32, #tpu.memory_space<vmem>>
    %dma_wait3A_96 = tpu.memref_squeeze %dma_wait3A_95 : memref<1x1x64xi32, #tpu.memory_space<vmem>> -> memref<64xi32, #tpu.memory_space<vmem>>
    %dma_wait3A_97 = arith.constant 0 : i32
    %dma_wait3A_98 = arith.constant 0 : i32
    %dma_wait3A_99 = tpu.memref_slice %arg2[%dma_wait3A_97, %dma_wait3A_98] : memref<10000x128xf32, #tpu.memory_space<hbm>> -> memref<10000x128xf32, #tpu.memory_space<hbm>>
    tpu.wait_indirect_dma semaphore(%arg7 : memref<!tpu.dma_semaphore, #tpu.memory_space<semaphore_mem>>) src(%dma_wait3A_99 : memref<10000x128xf32, #tpu.memory_space<hbm>>) dst(%dma_wait3A_93 : memref<64x128xf32, #tpu.memory_space<vmem>>)
    %dma_wait3A_100 = arith.constant 0 : i32
    %dma_wait3A_101 = arith.constant 4 : i32
    %dma_wait3A_102 = arith.constant 256 : i32
    %dma_wait3A_103 = arith.constant 0 : i32
    %dma_wait3A_104 = tpu.memref_slice %arg6[%dma_wait3A_102, %dma_wait3A_103] : memref<320x128xf32, #tpu.memory_space<vmem>> -> memref<64x128xf32, #tpu.memory_space<vmem>>
    %dma_wait3A_105 = arith.constant 0 : i32
    %dma_wait3A_106 = tpu.memref_slice %arg5[%dma_wait3A_100, %dma_wait3A_101, %dma_wait3A_105] : memref<32x5x64xi32, #tpu.memory_space<vmem>> -> memref<1x1x64xi32, #tpu.memory_space<vmem>>
    %dma_wait3A_107 = tpu.memref_squeeze %dma_wait3A_106 : memref<1x1x64xi32, #tpu.memory_space<vmem>> -> memref<64xi32, #tpu.memory_space<vmem>>
    %dma_wait3A_108 = arith.constant 0 : i32
    %dma_wait3A_109 = arith.constant 0 : i32
    %dma_wait3A_110 = tpu.memref_slice %arg2[%dma_wait3A_108, %dma_wait3A_109] : memref<10000x128xf32, #tpu.memory_space<hbm>> -> memref<10000x128xf32, #tpu.memory_space<hbm>>
    tpu.wait_indirect_dma semaphore(%arg7 : memref<!tpu.dma_semaphore, #tpu.memory_space<semaphore_mem>>) src(%dma_wait3A_110 : memref<10000x128xf32, #tpu.memory_space<hbm>>) dst(%dma_wait3A_104 : memref<64x128xf32, #tpu.memory_space<vmem>>)
    %scan3A = arith.constant 0 : i32
    %scan3A_111 = arith.constant 1 : i32
    %scan3A_112 = arith.constant 31 : i32
    %scan3A_113 = arith.addi %scan3A_111, %scan3A_112 : i32
    %scan3A_114 = arith.constant 1 : i32
    scf.for %scan3A_116 = %scan3A_111 to %scan3A_113 step %scan3A_114  : i32 {
      %dma_start3A_117 = arith.constant 0 : i32
      %dma_start3A_118 = arith.constant 0 : i32
      %dma_start3A_119 = arith.constant 0 : i32
      %dma_start3A_120 = tpu.memref_slice %arg6[%dma_start3A_118, %dma_start3A_119] : memref<320x128xf32, #tpu.memory_space<vmem>> -> memref<64x128xf32, #tpu.memory_space<vmem>>
      %dma_start3A_121 = arith.constant 0 : i32
      %dma_start3A_122 = tpu.memref_slice %arg5[%scan3A_116, %dma_start3A_117, %dma_start3A_121] : memref<32x5x64xi32, #tpu.memory_space<vmem>> -> memref<1x1x64xi32, #tpu.memory_space<vmem>>
      %dma_start3A_123 = tpu.memref_squeeze %dma_start3A_122 : memref<1x1x64xi32, #tpu.memory_space<vmem>> -> memref<64xi32, #tpu.memory_space<vmem>>
      %dma_start3A_124 = arith.constant 0 : i32
      %dma_start3A_125 = arith.constant 0 : i32
      %dma_start3A_126 = tpu.memref_slice %arg2[%dma_start3A_124, %dma_start3A_125] : memref<10000x128xf32, #tpu.memory_space<hbm>> -> memref<10000x128xf32, #tpu.memory_space<hbm>>
      tpu.enqueue_indirect_dma source(%dma_start3A_126 : memref<10000x128xf32, #tpu.memory_space<hbm>>) target(%dma_start3A_120 : memref<64x128xf32, #tpu.memory_space<vmem>>) offsets(%dma_start3A_123 : memref<64xi32, #tpu.memory_space<vmem>>) semaphore(%arg7 : memref<!tpu.dma_semaphore, #tpu.memory_space<semaphore_mem>>) {add = true}
      %dma_start3A_127 = arith.constant 1 : i32
      %dma_start3A_128 = arith.constant 64 : i32
      %dma_start3A_129 = arith.constant 0 : i32
      %dma_start3A_130 = tpu.memref_slice %arg6[%dma_start3A_128, %dma_start3A_129] : memref<320x128xf32, #tpu.memory_space<vmem>> -> memref<64x128xf32, #tpu.memory_space<vmem>>
      %dma_start3A_131 = arith.constant 0 : i32
      %dma_start3A_132 = tpu.memref_slice %arg5[%scan3A_116, %dma_start3A_127, %dma_start3A_131] : memref<32x5x64xi32, #tpu.memory_space<vmem>> -> memref<1x1x64xi32, #tpu.memory_space<vmem>>
      %dma_start3A_133 = tpu.memref_squeeze %dma_start3A_132 : memref<1x1x64xi32, #tpu.memory_space<vmem>> -> memref<64xi32, #tpu.memory_space<vmem>>
      %dma_start3A_134 = arith.constant 0 : i32
      %dma_start3A_135 = arith.constant 0 : i32
      %dma_start3A_136 = tpu.memref_slice %arg2[%dma_start3A_134, %dma_start3A_135] : memref<10000x128xf32, #tpu.memory_space<hbm>> -> memref<10000x128xf32, #tpu.memory_space<hbm>>
      tpu.enqueue_indirect_dma source(%dma_start3A_136 : memref<10000x128xf32, #tpu.memory_space<hbm>>) target(%dma_start3A_130 : memref<64x128xf32, #tpu.memory_space<vmem>>) offsets(%dma_start3A_133 : memref<64xi32, #tpu.memory_space<vmem>>) semaphore(%arg7 : memref<!tpu.dma_semaphore, #tpu.memory_space<semaphore_mem>>) {add = true}
      %dma_start3A_137 = arith.constant 2 : i32
      %dma_start3A_138 = arith.constant 128 : i32
      %dma_start3A_139 = arith.constant 0 : i32
      %dma_start3A_140 = tpu.memref_slice %arg6[%dma_start3A_138, %dma_start3A_139] : memref<320x128xf32, #tpu.memory_space<vmem>> -> memref<64x128xf32, #tpu.memory_space<vmem>>
      %dma_start3A_141 = arith.constant 0 : i32
      %dma_start3A_142 = tpu.memref_slice %arg5[%scan3A_116, %dma_start3A_137, %dma_start3A_141] : memref<32x5x64xi32, #tpu.memory_space<vmem>> -> memref<1x1x64xi32, #tpu.memory_space<vmem>>
      %dma_start3A_143 = tpu.memref_squeeze %dma_start3A_142 : memref<1x1x64xi32, #tpu.memory_space<vmem>> -> memref<64xi32, #tpu.memory_space<vmem>>
      %dma_start3A_144 = arith.constant 0 : i32
      %dma_start3A_145 = arith.constant 0 : i32
      %dma_start3A_146 = tpu.memref_slice %arg2[%dma_start3A_144, %dma_start3A_145] : memref<10000x128xf32, #tpu.memory_space<hbm>> -> memref<10000x128xf32, #tpu.memory_space<hbm>>
      tpu.enqueue_indirect_dma source(%dma_start3A_146 : memref<10000x128xf32, #tpu.memory_space<hbm>>) target(%dma_start3A_140 : memref<64x128xf32, #tpu.memory_space<vmem>>) offsets(%dma_start3A_143 : memref<64xi32, #tpu.memory_space<vmem>>) semaphore(%arg7 : memref<!tpu.dma_semaphore, #tpu.memory_space<semaphore_mem>>) {add = true}
      %dma_start3A_147 = arith.constant 3 : i32
      %dma_start3A_148 = arith.constant 192 : i32
      %dma_start3A_149 = arith.constant 0 : i32
      %dma_start3A_150 = tpu.memref_slice %arg6[%dma_start3A_148, %dma_start3A_149] : memref<320x128xf32, #tpu.memory_space<vmem>> -> memref<64x128xf32, #tpu.memory_space<vmem>>
      %dma_start3A_151 = arith.constant 0 : i32
      %dma_start3A_152 = tpu.memref_slice %arg5[%scan3A_116, %dma_start3A_147, %dma_start3A_151] : memref<32x5x64xi32, #tpu.memory_space<vmem>> -> memref<1x1x64xi32, #tpu.memory_space<vmem>>
      %dma_start3A_153 = tpu.memref_squeeze %dma_start3A_152 : memref<1x1x64xi32, #tpu.memory_space<vmem>> -> memref<64xi32, #tpu.memory_space<vmem>>
      %dma_start3A_154 = arith.constant 0 : i32
      %dma_start3A_155 = arith.constant 0 : i32
      %dma_start3A_156 = tpu.memref_slice %arg2[%dma_start3A_154, %dma_start3A_155] : memref<10000x128xf32, #tpu.memory_space<hbm>> -> memref<10000x128xf32, #tpu.memory_space<hbm>>
      tpu.enqueue_indirect_dma source(%dma_start3A_156 : memref<10000x128xf32, #tpu.memory_space<hbm>>) target(%dma_start3A_150 : memref<64x128xf32, #tpu.memory_space<vmem>>) offsets(%dma_start3A_153 : memref<64xi32, #tpu.memory_space<vmem>>) semaphore(%arg7 : memref<!tpu.dma_semaphore, #tpu.memory_space<semaphore_mem>>) {add = true}
      %dma_start3A_157 = arith.constant 4 : i32
      %dma_start3A_158 = arith.constant 256 : i32
      %dma_start3A_159 = arith.constant 0 : i32
      %dma_start3A_160 = tpu.memref_slice %arg6[%dma_start3A_158, %dma_start3A_159] : memref<320x128xf32, #tpu.memory_space<vmem>> -> memref<64x128xf32, #tpu.memory_space<vmem>>
      %dma_start3A_161 = arith.constant 0 : i32
      %dma_start3A_162 = tpu.memref_slice %arg5[%scan3A_116, %dma_start3A_157, %dma_start3A_161] : memref<32x5x64xi32, #tpu.memory_space<vmem>> -> memref<1x1x64xi32, #tpu.memory_space<vmem>>
      %dma_start3A_163 = tpu.memref_squeeze %dma_start3A_162 : memref<1x1x64xi32, #tpu.memory_space<vmem>> -> memref<64xi32, #tpu.memory_space<vmem>>
      %dma_start3A_164 = arith.constant 0 : i32
      %dma_start3A_165 = arith.constant 0 : i32
      %dma_start3A_166 = tpu.memref_slice %arg2[%dma_start3A_164, %dma_start3A_165] : memref<10000x128xf32, #tpu.memory_space<hbm>> -> memref<10000x128xf32, #tpu.memory_space<hbm>>
      tpu.enqueue_indirect_dma source(%dma_start3A_166 : memref<10000x128xf32, #tpu.memory_space<hbm>>) target(%dma_start3A_160 : memref<64x128xf32, #tpu.memory_space<vmem>>) offsets(%dma_start3A_163 : memref<64xi32, #tpu.memory_space<vmem>>) semaphore(%arg7 : memref<!tpu.dma_semaphore, #tpu.memory_space<semaphore_mem>>) {add = true}
      %dma_wait3A_167 = arith.constant 0 : i32
      %dma_wait3A_168 = arith.constant 0 : i32
      %dma_wait3A_169 = arith.constant 0 : i32
      %dma_wait3A_170 = tpu.memref_slice %arg6[%dma_wait3A_168, %dma_wait3A_169] : memref<320x128xf32, #tpu.memory_space<vmem>> -> memref<64x128xf32, #tpu.memory_space<vmem>>
      %dma_wait3A_171 = arith.constant 0 : i32
      %dma_wait3A_172 = tpu.memref_slice %arg5[%scan3A_116, %dma_wait3A_167, %dma_wait3A_171] : memref<32x5x64xi32, #tpu.memory_space<vmem>> -> memref<1x1x64xi32, #tpu.memory_space<vmem>>
      %dma_wait3A_173 = tpu.memref_squeeze %dma_wait3A_172 : memref<1x1x64xi32, #tpu.memory_space<vmem>> -> memref<64xi32, #tpu.memory_space<vmem>>
      %dma_wait3A_174 = arith.constant 0 : i32
      %dma_wait3A_175 = arith.constant 0 : i32
      %dma_wait3A_176 = tpu.memref_slice %arg2[%dma_wait3A_174, %dma_wait3A_175] : memref<10000x128xf32, #tpu.memory_space<hbm>> -> memref<10000x128xf32, #tpu.memory_space<hbm>>
      tpu.wait_indirect_dma semaphore(%arg7 : memref<!tpu.dma_semaphore, #tpu.memory_space<semaphore_mem>>) src(%dma_wait3A_176 : memref<10000x128xf32, #tpu.memory_space<hbm>>) dst(%dma_wait3A_170 : memref<64x128xf32, #tpu.memory_space<vmem>>)
      %dma_wait3A_177 = arith.constant 1 : i32
      %dma_wait3A_178 = arith.constant 64 : i32
      %dma_wait3A_179 = arith.constant 0 : i32
      %dma_wait3A_180 = tpu.memref_slice %arg6[%dma_wait3A_178, %dma_wait3A_179] : memref<320x128xf32, #tpu.memory_space<vmem>> -> memref<64x128xf32, #tpu.memory_space<vmem>>
      %dma_wait3A_181 = arith.constant 0 : i32
      %dma_wait3A_182 = tpu.memref_slice %arg5[%scan3A_116, %dma_wait3A_177, %dma_wait3A_181] : memref<32x5x64xi32, #tpu.memory_space<vmem>> -> memref<1x1x64xi32, #tpu.memory_space<vmem>>
      %dma_wait3A_183 = tpu.memref_squeeze %dma_wait3A_182 : memref<1x1x64xi32, #tpu.memory_space<vmem>> -> memref<64xi32, #tpu.memory_space<vmem>>
      %dma_wait3A_184 = arith.constant 0 : i32
      %dma_wait3A_185 = arith.constant 0 : i32
      %dma_wait3A_186 = tpu.memref_slice %arg2[%dma_wait3A_184, %dma_wait3A_185] : memref<10000x128xf32, #tpu.memory_space<hbm>> -> memref<10000x128xf32, #tpu.memory_space<hbm>>
      tpu.wait_indirect_dma semaphore(%arg7 : memref<!tpu.dma_semaphore, #tpu.memory_space<semaphore_mem>>) src(%dma_wait3A_186 : memref<10000x128xf32, #tpu.memory_space<hbm>>) dst(%dma_wait3A_180 : memref<64x128xf32, #tpu.memory_space<vmem>>)
      %dma_wait3A_187 = arith.constant 2 : i32
      %dma_wait3A_188 = arith.constant 128 : i32
      %dma_wait3A_189 = arith.constant 0 : i32
      %dma_wait3A_190 = tpu.memref_slice %arg6[%dma_wait3A_188, %dma_wait3A_189] : memref<320x128xf32, #tpu.memory_space<vmem>> -> memref<64x128xf32, #tpu.memory_space<vmem>>
      %dma_wait3A_191 = arith.constant 0 : i32
      %dma_wait3A_192 = tpu.memref_slice %arg5[%scan3A_116, %dma_wait3A_187, %dma_wait3A_191] : memref<32x5x64xi32, #tpu.memory_space<vmem>> -> memref<1x1x64xi32, #tpu.memory_space<vmem>>
      %dma_wait3A_193 = tpu.memref_squeeze %dma_wait3A_192 : memref<1x1x64xi32, #tpu.memory_space<vmem>> -> memref<64xi32, #tpu.memory_space<vmem>>
      %dma_wait3A_194 = arith.constant 0 : i32
      %dma_wait3A_195 = arith.constant 0 : i32
      %dma_wait3A_196 = tpu.memref_slice %arg2[%dma_wait3A_194, %dma_wait3A_195] : memref<10000x128xf32, #tpu.memory_space<hbm>> -> memref<10000x128xf32, #tpu.memory_space<hbm>>
      tpu.wait_indirect_dma semaphore(%arg7 : memref<!tpu.dma_semaphore, #tpu.memory_space<semaphore_mem>>) src(%dma_wait3A_196 : memref<10000x128xf32, #tpu.memory_space<hbm>>) dst(%dma_wait3A_190 : memref<64x128xf32, #tpu.memory_space<vmem>>)
      %dma_wait3A_197 = arith.constant 3 : i32
      %dma_wait3A_198 = arith.constant 192 : i32
      %dma_wait3A_199 = arith.constant 0 : i32
      %dma_wait3A_200 = tpu.memref_slice %arg6[%dma_wait3A_198, %dma_wait3A_199] : memref<320x128xf32, #tpu.memory_space<vmem>> -> memref<64x128xf32, #tpu.memory_space<vmem>>
      %dma_wait3A_201 = arith.constant 0 : i32
      %dma_wait3A_202 = tpu.memref_slice %arg5[%scan3A_116, %dma_wait3A_197, %dma_wait3A_201] : memref<32x5x64xi32, #tpu.memory_space<vmem>> -> memref<1x1x64xi32, #tpu.memory_space<vmem>>
      %dma_wait3A_203 = tpu.memref_squeeze %dma_wait3A_202 : memref<1x1x64xi32, #tpu.memory_space<vmem>> -> memref<64xi32, #tpu.memory_space<vmem>>
      %dma_wait3A_204 = arith.constant 0 : i32
      %dma_wait3A_205 = arith.constant 0 : i32
      %dma_wait3A_206 = tpu.memref_slice %arg2[%dma_wait3A_204, %dma_wait3A_205] : memref<10000x128xf32, #tpu.memory_space<hbm>> -> memref<10000x128xf32, #tpu.memory_space<hbm>>
      tpu.wait_indirect_dma semaphore(%arg7 : memref<!tpu.dma_semaphore, #tpu.memory_space<semaphore_mem>>) src(%dma_wait3A_206 : memref<10000x128xf32, #tpu.memory_space<hbm>>) dst(%dma_wait3A_200 : memref<64x128xf32, #tpu.memory_space<vmem>>)
      %dma_wait3A_207 = arith.constant 4 : i32
      %dma_wait3A_208 = arith.constant 256 : i32
      %dma_wait3A_209 = arith.constant 0 : i32
      %dma_wait3A_210 = tpu.memref_slice %arg6[%dma_wait3A_208, %dma_wait3A_209] : memref<320x128xf32, #tpu.memory_space<vmem>> -> memref<64x128xf32, #tpu.memory_space<vmem>>
      %dma_wait3A_211 = arith.constant 0 : i32
      %dma_wait3A_212 = tpu.memref_slice %arg5[%scan3A_116, %dma_wait3A_207, %dma_wait3A_211] : memref<32x5x64xi32, #tpu.memory_space<vmem>> -> memref<1x1x64xi32, #tpu.memory_space<vmem>>
      %dma_wait3A_213 = tpu.memref_squeeze %dma_wait3A_212 : memref<1x1x64xi32, #tpu.memory_space<vmem>> -> memref<64xi32, #tpu.memory_space<vmem>>
      %dma_wait3A_214 = arith.constant 0 : i32
      %dma_wait3A_215 = arith.constant 0 : i32
      %dma_wait3A_216 = tpu.memref_slice %arg2[%dma_wait3A_214, %dma_wait3A_215] : memref<10000x128xf32, #tpu.memory_space<hbm>> -> memref<10000x128xf32, #tpu.memory_space<hbm>>
      tpu.wait_indirect_dma semaphore(%arg7 : memref<!tpu.dma_semaphore, #tpu.memory_space<semaphore_mem>>) src(%dma_wait3A_216 : memref<10000x128xf32, #tpu.memory_space<hbm>>) dst(%dma_wait3A_210 : memref<64x128xf32, #tpu.memory_space<vmem>>)
    }
    %scan3A_115 = arith.constant 31 : i32
    "tpu.region"() ({
      %run_scoped3A = tpu.sem_alloc : memref<!tpu.dma_semaphore, #tpu.memory_space<semaphore_mem>>
      %dma_start3A_116 = arith.constant 0 : i32
      %dma_start3A_117 = tpu.memref_slice %arg4[%mul3A_2, %dma_start3A_116] : memref<10240x128xf32, #tpu.memory_space<hbm>> -> memref<320x128xf32, #tpu.memory_space<hbm>>
      %dma_start3A_118 = arith.constant 0 : i32
      %dma_start3A_119 = tpu.memref_slice %arg4[%mul3A_2, %dma_start3A_118] : memref<10240x128xf32, #tpu.memory_space<hbm>> -> memref<320x128xf32, #tpu.memory_space<hbm>>
      tpu.enqueue_dma source(%arg6 : memref<320x128xf32, #tpu.memory_space<vmem>>) target(%dma_start3A_119 : memref<320x128xf32, #tpu.memory_space<hbm>>) target_semaphore(%run_scoped3A : memref<!tpu.dma_semaphore, #tpu.memory_space<semaphore_mem>>)
      %dma_wait3A_120 = arith.constant 0 : i32
      %dma_wait3A_121 = tpu.memref_slice %arg4[%mul3A_2, %dma_wait3A_120] : memref<10240x128xf32, #tpu.memory_space<hbm>> -> memref<320x128xf32, #tpu.memory_space<hbm>>
      %dma_wait3A_122 = arith.constant 0 : i32
      %dma_wait3A_123 = tpu.memref_slice %arg4[%mul3A_2, %dma_wait3A_122] : memref<10240x128xf32, #tpu.memory_space<hbm>> -> memref<320x128xf32, #tpu.memory_space<hbm>>
      tpu.wait_dma2 semaphore(%run_scoped3A : memref<!tpu.dma_semaphore, #tpu.memory_space<semaphore_mem>>) src(%arg6 : memref<320x128xf32, #tpu.memory_space<vmem>>) dst(%dma_wait3A_123 : memref<320x128xf32, #tpu.memory_space<hbm>>)
      tpu.yield
    }) : () -> ()
    return
  }
}

module attributes {stable_mosaic.version = 14 : i64} {
  func.func @_mlp_body(%arg0: i32, %arg1: memref<1xf32, #tpu.memory_space<smem>>, %arg2: memref<1000x128xf32, #tpu.memory_space<vmem>>, %arg3: memref<1000x128xf32, #tpu.memory_space<vmem>>, %arg4: memref<128x128xf32, #tpu.memory_space<vmem>>, %arg5: memref<1x128xf32, #tpu.memory_space<vmem>>, %arg6: memref<1000x128xf32, #tpu.memory_space<vmem>>) attributes {dimension_semantics = [#tpu.dimension_semantics<arbitrary>], iteration_bounds = array<i64: 10>, scalar_prefetch = 0 : i64, scratch_operands = 0 : i64, tpu.core_type = #tpu.core_type<tc>, window_params = [{transform_indices = @transform_0, window_bounds = array<i64: 1>}, {transform_indices = @transform_1, window_bounds = array<i64: 1000, 128>}, {transform_indices = @transform_2, window_bounds = array<i64: 1000, 128>}, {pipeline_mode = #tpu.pipeline_mode<synchronous>, transform_indices = @transform_3, window_bounds = array<i64: 128, 128>}, {pipeline_mode = #tpu.pipeline_mode<synchronous>, transform_indices = @transform_4, window_bounds = array<i64: 1, 128>}, {transform_indices = @transform_5, window_bounds = array<i64: 1000, 128>}]} {
    %get3A = arith.constant 0 : index
    %get3A_0 = memref.load %arg1[%get3A] : memref<1xf32, #tpu.memory_space<smem>>
    %get3A_1 = arith.constant 0 : index
    %get3A_2 = arith.constant 0 : index
    %get3A_3 = vector.load %arg2[%get3A_1, %get3A_2] : memref<1000x128xf32, #tpu.memory_space<vmem>>, vector<1000x128xf32>
    %mul3A = vector.broadcast %get3A_0 : f32 to vector<1000x128xf32>
    %mul3A_4 = arith.mulf %mul3A, %get3A_3 : vector<1000x128xf32>
    %get3A_5 = arith.constant 0 : index
    %get3A_6 = arith.constant 0 : index
    %get3A_7 = vector.load %arg3[%get3A_5, %get3A_6] : memref<1000x128xf32, #tpu.memory_space<vmem>>, vector<1000x128xf32>
    %add3A = arith.addf %mul3A_4, %get3A_7 : vector<1000x128xf32>
    %get3A_8 = arith.constant 0 : index
    %get3A_9 = arith.constant 0 : index
    %get3A_10 = vector.load %arg4[%get3A_8, %get3A_9] : memref<128x128xf32, #tpu.memory_space<vmem>>, vector<128x128xf32>
    %dot_general3A = arith.constant dense<0.000000e+00> : vector<1000x128xf32>
    %dot_general3A_11 = tpu.matmul %add3A, %get3A_10, %dot_general3A {dimension_numbers = #tpu.dot_dimension_numbers<[1], [1], [0], [0], [0, 0, 1, 0], [], []>, transpose_lhs_hint = false} : vector<1000x128xf32>, vector<128x128xf32>, vector<1000x128xf32> -> vector<1000x128xf32>
    %get3A_12 = arith.constant 0 : index
    %get3A_13 = arith.constant 0 : index
    %get3A_14 = vector.load %arg5[%get3A_12, %get3A_13] : memref<1x128xf32, #tpu.memory_space<vmem>>, vector<1x128xf32>
    %add3A_15 = vector.broadcast %get3A_14 : vector<1x128xf32> to vector<1000x128xf32>
    %add3A_16 = arith.addf %dot_general3A_11, %add3A_15 : vector<1000x128xf32>
    %max3A = arith.constant 0.000000e+00 : f32
    %max3A_17 = vector.broadcast %max3A : f32 to vector<1000x128xf32>
    %max3A_18 = arith.maximumf %add3A_16, %max3A_17 : vector<1000x128xf32>
    %swap3A = arith.constant 0 : index
    %swap3A_19 = arith.constant 0 : index
    %swap3A_20 = vector.load %arg6[%swap3A, %swap3A_19] : memref<1000x128xf32, #tpu.memory_space<vmem>>, vector<1000x128xf32>
    tpu.vector_store %arg6[%swap3A, %swap3A_19], %max3A_18 {strides = array<i32>} : memref<1000x128xf32, #tpu.memory_space<vmem>>, vector<1000x128xf32>,
    return
  }
  func.func @transform_0(%arg0: i32) -> i32 {
    %c0_i32 = arith.constant 0 : i32
    %c0_i32_0 = arith.constant 0 : i32
    return %c0_i32 : i32
  }
  func.func @transform_1(%arg0: i32) -> (i32, i32) {
    %c0_i32 = arith.constant 0 : i32
    %c0_i32_0 = arith.constant 0 : i32
    return %arg0, %c0_i32 : i32, i32
  }
  func.func @transform_2(%arg0: i32) -> (i32, i32) {
    %c0_i32 = arith.constant 0 : i32
    %c0_i32_0 = arith.constant 0 : i32
    return %arg0, %c0_i32 : i32, i32
  }
  func.func @transform_3(%arg0: i32) -> (i32, i32) {
    %c0_i32 = arith.constant 0 : i32
    %c0_i32_0 = arith.constant 0 : i32
    %c0_i32_1 = arith.constant 0 : i32
    return %c0_i32, %c0_i32_0 : i32, i32
  }
  func.func @transform_4(%arg0: i32) -> (i32, i32) {
    %c0_i32 = arith.constant 0 : i32
    %c0_i32_0 = arith.constant 0 : i32
    %c0_i32_1 = arith.constant 0 : i32
    return %c0_i32, %c0_i32_0 : i32, i32
  }
  func.func @transform_5(%arg0: i32) -> (i32, i32) {
    %c0_i32 = arith.constant 0 : i32
    %c0_i32_0 = arith.constant 0 : i32
    return %arg0, %c0_i32 : i32, i32
  }
}

</mosaic_0001>

<sc_bundles>
// kernel: kernel.4.cloned.1.call-start
scs
__scs_entry_jumppad:
0x0: {  	(pc) =	sbr.rel $0x88, $3  }
0x1: {  	(tag) =	ssettag $0x0;
	lr =	simm.s32 $0x1  }
0x2: {  	[smem:$0x3F9C] =	sst lr;
	_ =	strace $0xD0000000  }
0x3: {  	_ = 	snop  }
0x4: {  	_ = 	snop  }
0x5: {  	_ = 	snop  }
0x6: {  	_ = 	snop  }
0x7: {  	_ = 	snop  }
__scs_overlays_trampoline_lowered:
0x8: {  	[smem:$0x3FAB] =	sst s0  }
0x9: {  	[smem:$0x3FAC] =	sst s1  }
0xa: {  	[smem:$0x3FAD] =	sst s2  }
0xb: {  	[smem:$0x3FAE] =	sst s3  }
0xc: {  	[smem:$0x3FAF] =	sst s4  }
0xd: {  	[smem:$0x3FB0] =	sst s5  }
0xe: {  	[smem:$0x3FB1] =	sst s6  }
0xf: {  	[smem:$0x3FB2] =	sst s7  }
0x10: {  	[smem:$0x3FB3] =	sst s8  }
0x11: {  	[smem:$0x3FB4] =	sst s9;
	s0 =	simm.s32 @!p0 $0x0  }
0x12: {  	s1 =	sld [smem:$0x3F9A];
	s0 =	simm.s32 @p0 $0x1  }
0x13: {  	[smem:$0x3FB5] =	sst s0;
	s0 =	simm.s32 @!p1 $0x0  }
0x14: {  	s2 =	sld [smem:$0x3F99];
	s0 =	simm.s32 @p1 $0x1  }
0x15: {  	[smem:$0x3FB6] =	sst s0;
	s0 =	simm.s32 @!p2 $0x0  }
0x16: {  	s3 =	sld [smem:$0x3FDB];
	s0 =	simm.s32 @p2 $0x1  }
0x17: {  	s4 =	simm.s32 $0x1BF5;
	[smem:$0x3FB8] =	sst s0  }
0x18: {  	s0 =	sld [smem:$0x3F9B];
	_ =	swait.ge [sflag:s4], $0x0  }
0x19: {  	s7 =	sld [smem:$0x3F9C]  }
0x1a: {  	s8 =	sadd.s32 $0xFFFFE003, lr  }
0x1b: {  	s9 =	sadd.s32 $0xFFFFFEF7, lr;
	s5 =	simm.s32 $0xFFFFFFFF;
	p2 =	slt.u32 s8, $0xFFFFF086  }
0x1c: {  	p1 =	slt.u32 s9, $0xF7A;
	s5 =	simm.s32 @!p2 $0x0  }
0x1d: {  	s5 =	simm.s32 @p1 $0x1;
	p0 =	seq.s32 s7, s2  }
0x1e: {  	s7 =	smul.u32 @!p0 $0xF7A, s2;
	p2 =	seq.s32 @!p0 s5, $0x0  }
0x1f: {  	s9 =	smul.u32 $0xF7A, s1;
	s8 =	simm.s32 @!p0 $0x1BF5;
	p2 =	por !p2, p0  }
0x20: {  	[sflag:s8] =	ssyncset.s32 @!p0 $0xFFFFF086;
	s6 =	sadd.s32 @!p0 s3, s7;
	s7 =	simm.s32 @!p0 $0x108  }
0x21: {  	s3 =	sadd.s32 s3, s9;
	s6 =	sadd.s32 @!p0 $0x88, s6;
	s7 =	simm.s32 @p2 $0x1082  }
0x22: {  	[simem:s7], [sflag:s8] =	dma.local @!p0 [hbm:s6], $0xF7A  }
0x23: {  	s9 =	sor.u32 $0xD0000000, s2;
	s6 =	simm.s32 $0x108;
	_ =	swait.ge @!p0 [sflag:s8], $0x0  }
0x24: {  	s3 =	sadd.s32 $0x88, s3;
	s6 =	simm.s32 @!p1 $0x1082;
	[sflag:s4] =	ssyncset.s32 $0xFFFFF086  }
0x25: {  	[simem:s6], [sflag:s4] =	dma.local [hbm:s3], $0xF7A  }
0x26: {  	[smem:$0x3F9C] =	sst s1;
	(tag) =	ssettag s2;
	_ =	strace s9  }
0x27: {  	s1 =	sld [smem:$0x3FAC]  }
0x28: {  	s2 =	sld [smem:$0x3FAD]  }
0x29: {  	s4 =	sld [smem:$0x3FAF]  }
0x2a: {  	p0 =	seq.s32 s5, $0x0;
	s5 =	sld [smem:$0x3FB0]  }
0x2b: {  	s6 =	sld [smem:$0x3FB1]  }
0x2c: {  	s7 =	sld [smem:$0x3FB2]  }
0x2d: {  	s3 =	simm.s32 $0x108;
	s8 =	sld [smem:$0x3FB3]  }
0x2e: {  	s3 =	simm.s32 @!p0 $0x1082;
	s9 =	sld [smem:$0x3FB4]  }
0x2f: {  	lr =	sadd.s32 s0, s3;
	s0 =	sld [smem:$0x3FAB]  }
0x30: {  	s3 =	sld [smem:$0x3FAE]  }
0x31: {  	[smem:$0x3FB7] =	sst s10  }
0x32: {  	s10 =	sld [smem:$0x3FB5];
	_ =	sdelay $0x3  }
0x33: {  	p0 =	seq.s32 s10, $0x1;
	s10 =	sld [smem:$0x3FB7];
	_ =	sdelay $0x3  }
0x34: {  	[smem:$0x3FB7] =	sst s10  }
0x35: {  	s10 =	sld [smem:$0x3FB6];
	_ =	sdelay $0x3  }
0x36: {  	p1 =	seq.s32 s10, $0x1;
	s10 =	sld [smem:$0x3FB7];
	_ =	sdelay $0x3  }
0x37: {  	[smem:$0x3FB7] =	sst s10  }
0x38: {  	s10 =	sld [smem:$0x3FB8]  }
0x39: {  	_ = 	snop;
	(pc) =	sbr.ind lr, $3  }
0x3a: {  	_ = 	snop  }
0x3b: {  	_ = 	snop  }
0x3c: {  	p2 =	seq.s32 s10, $0x1;
	s10 =	sld [smem:$0x3FB7]  }
0x3d: {  	_ =	shalt  }
0x3e: {  	_ =	shalt  }
0x3f: {  	_ =	shalt  }
0x40: {  	_ =	shalt  }
0x41: {  	_ =	shalt  }
0x42: {  	_ =	shalt  }
0x43: {  	_ =	shalt  }
0x44: {  	_ =	shalt  }
0x45: {  	_ =	shalt  }
0x46: {  	_ =	shalt  }
0x47: {  	_ =	shalt  }
0x48: {  	_ =	shalt  }
0x49: {  	_ =	shalt  }
0x4a: {  	_ =	shalt  }
0x4b: {  	_ =	shalt  }
0x4c: {  	_ =	shalt  }
0x4d: {  	_ =	shalt  }
0x4e: {  	_ =	shalt  }
0x4f: {  	_ =	shalt  }
0x50: {  	_ =	shalt  }
0x51: {  	_ =	shalt  }
0x52: {  	_ =	shalt  }
0x53: {  	_ =	shalt  }
0x54: {  	_ =	shalt  }
0x55: {  	_ =	shalt  }
0x56: {  	_ =	shalt  }
0x57: {  	_ =	shalt  }
0x58: {  	_ =	shalt  }
0x59: {  	_ =	shalt  }
0x5a: {  	_ =	shalt  }
0x5b: {  	_ =	shalt  }
0x5c: {  	_ =	shalt  }
0x5d: {  	_ =	shalt  }
0x5e: {  	_ =	shalt  }
0x5f: {  	_ =	shalt  }
0x60: {  	_ =	shalt  }
0x61: {  	_ =	shalt  }
0x62: {  	_ =	shalt  }
0x63: {  	_ =	shalt  }
0x64: {  	_ =	shalt  }
0x65: {  	_ =	shalt  }
0x66: {  	_ =	shalt  }
0x67: {  	_ =	shalt  }
0x68: {  	_ =	shalt  }
0x69: {  	_ =	shalt  }
0x6a: {  	_ =	shalt  }
0x6b: {  	_ =	shalt  }
0x6c: {  	_ =	shalt  }
0x6d: {  	_ =	shalt  }
0x6e: {  	_ =	shalt  }
0x6f: {  	_ =	shalt  }
0x70: {  	_ =	shalt  }
0x71: {  	_ =	shalt  }
0x72: {  	_ =	shalt  }
0x73: {  	_ =	shalt  }
0x74: {  	_ =	shalt  }
0x75: {  	_ =	shalt  }
0x76: {  	_ =	shalt  }
0x77: {  	_ =	shalt  }
0x78: {  	_ =	shalt  }
0x79: {  	_ =	shalt  }
0x7a: {  	_ =	shalt  }
0x7b: {  	_ =	shalt  }
0x7c: {  	_ =	shalt  }
0x7d: {  	_ =	shalt  }
0x7e: {  	_ =	shalt  }
0x7f: {  	_ =	shalt  }
0x80: {  	_ =	shalt  }
0x81: {  	_ =	shalt  }
0x82: {  	_ =	shalt  }
0x83: {  	_ =	shalt  }
0x84: {  	_ =	shalt  }
0x85: {  	_ =	shalt  }
0x86: {  	_ =	shalt  }
0x87: {  	_ =	shalt  }
.Lfunc_end0:
.L_simem_size_0:
called_computation_lowered:
.L_overlay_start_0:
0x88: {  	s2 =	sld [smem:$0x3FD9]  }
0x89: {  	s3 =	sld [smem:$0x3FFE];
	_ =	sdelay $0x1  }
0x8a: {  	s1 =	srdreg.scid  }
0x8b: {  	s0 =	sand.u32 $0x1, s1  }
0x8c: {  	s17 =	sshll.u32 s0, $0xA;
	s2 =	sadd.s32 s3, s2  }
0x8d: {  	s2 =	sadd.s32 s2, s17  }
0x8e: {  	[smem:$0x3FC3] =	sst s2  }
0x8f: {  	_ = 	snop  }
0x90: {  	s2 =	sld [smem:$0x3FC9]  }
0x91: {  	s18 =	sld [smem:$0x3FD0];
	(tm) =	ssettm $0x1  }
0x92: {  	s4 =	sld [smem:$0x3FFB];
	_ =	sdelay $0x3  }
0x93: {  	_ =	strace s4  }
0x94: {  	s4 =	sld [smem:$0x3FFC];
	_ =	sdelay $0x3  }
0x95: {  	_ =	strace s4  }
0x96: {  	s4 =	sld [smem:$0x3FFD];
	_ =	sdelay $0x3  }
0x97: {  	_ =	strace s4  }
0x98: {  	_ =	strace $0x8FFFFFFF  }
0x99: {  	s19 =	sld [smem:$0x3FDB];
	_ =	sdelay $0x1  }
0x9a: {  	s5 =	simm.s32 $_scs_section_size  }
0x9b: {  	s6 =	simm.s32 $_size__tile_overlayer_lowered;
	s7 =	simm.s32 $_tile_overlayer_lowered  }
0x9c: {  	s22 =	simm.s32 $0x1BFF;
	s21 =	sshll.u32 s7, $0x1;
	s4 =	sadd.s32 s5, s19  }
0x9d: {  	s8 =	simm.s32 $0x0;
	s20 =	sshll.u32 s6, $0x1;
	s6 =	sadd.s32 s21, s4  }
0x9e: {  	[timem:s8], [sflag:s22] =	dma.local [hbm:s6], s20  }
0x9f: {  	_ =	swait.ge [sflag:s22], s20  }
0xa0: {  	s5 =	ssub.s32 $0x0, s20;
	[sflag:s22] =	ssyncset.done $0x0  }
0xa1: {  	[sflag:s22] =	ssyncadd.s32 s5;
	_ =	sdelay $0x1  }
0xa2: {  	s23 =	simm.s32 $0x1B8B  }
0xa3: {  	_ =	swait.ge [sflag:s23], $0x1  }
0xa4: {  	[sflag:s23] =	ssyncset.done $0x0  }
0xa5: {  	s25 =	simm.s32 $0x1B8E;
	s24 =	sld [smem:$0x3FFE];
	[sflag:s23] =	ssyncadd.s32 $0xFFFFFFFF  }
0xa6: {  	s26 =	simm.s32 $execute0_lowered;
	[smem:$0x3FD2] =	sst s25  }
0xa7: {  	s6 =	sshll.u32 s26, $0x1;
	_ =	strace $0x80000046;
	[dreg:$0x1] =	wrdreg $0xFFFFFFFF  }
0xa8: {  	s28 =	simm.s32 $_size_execute0_lowered;
	s4 =	sadd.s32 s4, s6;
	[dreg:$0x0] =	wrdreg $0x0  }
0xa9: {  	s6 =	sshll.u32 s28, $0x1;
	[dreg:$0x2] =	wrdreg s4  }
0xaa: {  	[dreg:$0x3] =	wrdreg s6  }
0xab: {  	[dreg:$0x4] =	wrdreg $0xC0  }
0xac: {  	_ =	task [dreg:s8], $0x5FFFF  }
0xad: {  	[dreg:$0x1] =	wrdreg $0xFFFFFFFF  }
0xae: {  	[dreg:$0x0] =	wrdreg $0x60  }
0xaf: {  	[dreg:$0x2] =	wrdreg s2  }
0xb0: {  	[dreg:$0x3] =	wrdreg s18  }
0xb1: {  	[dreg:$0x4] =	wrdreg s24  }
0xb2: {  	[dreg:$0x5] =	wrdreg $0x9  }
0xb3: {  	_ =	task.clear_ibuf [dreg:s8], $0x6FFFF;
	_ =	strace $0x90000046  }
0xb4: {  	s29 =	simm.s32 $0x9;
	_ =	strace $0x80000048  }
0xb5: {  	_ =	swait.ge [sflag:s29], $0x1  }
0xb6: {  	[sflag:s29] =	ssyncadd.s32 $0xFFFFFFFF  }
0xb7: {  	_ =	strace $0x90000048  }
0xb8: {  	_ =	sfence  }
0xb9: {  	s30 =	sld [smem:$0x0];
	_ =	sdelay $0x2  }
0xba: {  	s31 =	sshll.u32 s1, $0xD;
	s1 =	sshrl.u32 s1, $0x2  }
0xbb: {  	s3 =	sand.u32 $0x4000, s31;
	s1 =	sadd.s32 s1, s30  }
0xbc: {  	s0 =	sor.u32 s3, s0;
	s1 =	sshll.u32 s1, $0x11  }
0xbd: {  	s0 =	sor.u32 s1, s0  }
0xbe: {  	s0 =	sadd.s32 $0x8F2B, s0  }
0xbf: {  	[sflag:s0] =	ssyncadd.remote.s32 $0x1  }
0xc0: {  	_ =	sfence.sel $0xFFFF  }
0xc1: {  	[dreg:$0x0] =	wrdreg $0xFFFFFFFF;
	(pc) =	sbr.abs _section_cstart, $3  }
0xc2: {  	[dreg:$0x1] =	wrdreg $0xFFFFFFFF  }
0xc3: {  	_ =	task.clear_ibuf [dreg:s8], $0x2FFFF;
	_ =	strace $0x9FFFFFFF  }
0xc4: {  	(tm) =	ssettm $0x7FFFFFFF  }
0xc5: {  	_ =	shalt  }
tec
execute0_lowered:
.L_overlay_start_1:
0x0: {  	(tag) =	ssettag $0x1  }
0x1: {  	s1 =	rddreg [dreg:$0x0]  }
0x2: {  	s4 =	rddreg [dreg:$0x1]  }
0x3: {  	s2 =	srdreg.scid;
	s0 =	stileid.u32  }
0x4: {  	s5 =	rddreg [dreg:$0x2];
	s3 =	simm.s32 $0x0;
	s10 =	simm.s32 $0x80  }
0x5: {  	s11 =	simm.s32 $0xA000;
	s12 =	simm.s32 $0x100;
	s13 =	simm.s32 $0xC000  }
0x6: {  	s14 =	simm.s32 $0x180;
	s15 =	simm.s32 $0xE000;
	s16 =	simm.s32 $0x200  }
0x7: {  	s17 =	simm.s32 $0x10000;
	s18 =	simm.s32 $0x1;
	s19 =	simm.s32 $0x0  }
0x8: {  	s6 =	sand.u32 $0x1, s2;
	s7 =	sshll.u32 s0, $0x1;
	s2 =	rddreg [dreg:$0x3]  }
0x9: {  	[smem:$0x7FF] =	sst s3;
	s7 =	sor.u32 s6, s7;
	s6 =	ssub.s32 $0x2, s6  }
0xa: {  	s8 =	smul.u32 $0x1400, s7;
	s9 =	sshrl.u32 s6, $0x1;
	s7 =	sshll.u32 s7, $0xC  }
0xb: {  	_ =	strace $0x80000047;
	s6 =	ssub.s32 s6, s9;
	s4 =	sadd.s32 s4, s7  }
0xc: {  	s7 =	simm.s32 $0x2;
	s9 =	simm.s32 $0x8000;
	s5 =	sadd.s32 s8, s5  }
0xd: {  	s6 =	smax.u32 s6, $0x1;
	s8 =	simm.s32 $0x40;
	s5 =	sadd.s32 $0x1000, s5  }
.LBB2_1:
0xe: {  	s20 =	simm.s32 $0x80  }
0xf: {  	s23 =	sadd.s32 $0x0, s4;
	s21 =	simm.s32 $0x400;
	s22 =	simm.s32 $0x0  }
.LBB2_2:
0x10: {  	[tilespmem:s22], [sflag:$0x2] =	stream.linear.gather [hbm4b:s23+s3], $0x280, $0x38;
	[tilespmem:$0x12000] =	vst v63  }
0x11: {  	s23 =	smov.u32 s20;
	s22 =	smov.u32 s21;
	p0 =	sne.s32 s20, $0xF80  }
.Ltmp0:
0x12: {  	s20 =	sadd.s32 $0x80, s20;
	(pc) =	sbr.rel @p0 .LBB2_2-.Ltmp0, $2  }
0x13: {  	_ =	sdelay $0x2  }
0x14: {  	s21 =	sadd.s32 $0x400, s21;
	s23 =	sadd.s32 s23, s4  }
0x15: {  	[tilespmem:s22], [sflag:$0x2] =	stream.linear.gather [hbm4b:s23+s3], $0x280, $0x38;
	[tilespmem:$0x12000] =	vst v63  }
0x16: {  	_ =	swait.ge [sflag:s7], $0x5000  }
0x17: {  	[sflag:s7] =	ssyncset.done $0x0  }
0x18: {  	[sflag:s7] =	ssyncadd.s32 $0xFFFFB000  }
0x19: {  	[tilespmem:s9], [sflag:$0x1] =	stream.indirect.gather [hbm4b:s1+s8], $0x80, s3, s8, $0xb8;
	[tilespmem:$0x12000] =	vst v63  }
0x1a: {  	_ = 	snop  }
0x1b: {  	[tilespmem:s11], [sflag:$0x1] =	stream.indirect.gather [hbm4b:s1+s8], $0x80, s10, s8, $0xb8;
	[tilespmem:$0x12000] =	vst v63  }
0x1c: {  	_ = 	snop  }
0x1d: {  	[tilespmem:s13], [sflag:$0x1] =	stream.indirect.gather [hbm4b:s1+s8], $0x80, s12, s8, $0xb8;
	[tilespmem:$0x12000] =	vst v63  }
0x1e: {  	_ = 	snop  }
0x1f: {  	[tilespmem:s15], [sflag:$0x1] =	stream.indirect.gather [hbm4b:s1+s8], $0x80, s14, s8, $0xb8;
	[tilespmem:$0x12000] =	vst v63  }
0x20: {  	_ = 	snop  }
0x21: {  	[tilespmem:s17], [sflag:$0x1] =	stream.indirect.gather [hbm4b:s1+s8], $0x80, s16, s8, $0xb8;
	[tilespmem:$0x12000] =	vst v63  }
0x22: {  	_ =	swait.ge [sflag:s18], $0x2000  }
0x23: {  	[sflag:s18] =	ssyncset.done $0x0  }
0x24: {  	[sflag:s18] =	ssyncadd.s32 $0xFFFFE000  }
0x25: {  	_ =	swait.ge [sflag:s18], $0x2000  }
0x26: {  	[sflag:s18] =	ssyncset.done $0x0  }
0x27: {  	[sflag:s18] =	ssyncadd.s32 $0xFFFFE000  }
0x28: {  	_ =	swait.ge [sflag:s18], $0x2000  }
0x29: {  	[sflag:s18] =	ssyncset.done $0x0  }
0x2a: {  	[sflag:s18] =	ssyncadd.s32 $0xFFFFE000  }
0x2b: {  	_ =	swait.ge [sflag:s18], $0x2000  }
0x2c: {  	[sflag:s18] =	ssyncset.done $0x0  }
0x2d: {  	[sflag:s18] =	ssyncadd.s32 $0xFFFFE000  }
0x2e: {  	_ =	swait.ge [sflag:s18], $0x2000  }
0x2f: {  	[sflag:s18] =	ssyncset.done $0x0  }
0x30: {  	s20 =	simm.s32 $0x400;
	[sflag:s18] =	ssyncadd.s32 $0xFFFFE000  }
0x31: {  	[tilespmem:s9], [sflag:$0x1] =	stream.indirect.gather.add.f32 [hbm:s1], $0x80, s20, s8, $0xb8;
	[tilespmem:$0x12000] =	vst v63  }
0x32: {  	s28 =	simm.s32 $0x480  }
0x33: {  	[tilespmem:s11], [sflag:$0x1] =	stream.indirect.gather.add.f32 [hbm:s1], $0x80, s28, s8, $0xb8;
	[tilespmem:$0x12000] =	vst v63  }
0x34: {  	s29 =	simm.s32 $0x500  }
0x35: {  	[tilespmem:s13], [sflag:$0x1] =	stream.indirect.gather.add.f32 [hbm:s1], $0x80, s29, s8, $0xb8;
	[tilespmem:$0x12000] =	vst v63  }
0x36: {  	s30 =	simm.s32 $0x580  }
0x37: {  	[tilespmem:s15], [sflag:$0x1] =	stream.indirect.gather.add.f32 [hbm:s1], $0x80, s30, s8, $0xb8;
	[tilespmem:$0x12000] =	vst v63  }
0x38: {  	s31 =	simm.s32 $0x600  }
0x39: {  	[tilespmem:s17], [sflag:$0x1] =	stream.indirect.gather.add.f32 [hbm:s1], $0x80, s31, s8, $0xb8;
	[tilespmem:$0x12000] =	vst v63  }
0x3a: {  	_ =	swait.ge [sflag:s18], $0x2000  }
0x3b: {  	[sflag:s18] =	ssyncset.done $0x0  }
0x3c: {  	[sflag:s18] =	ssyncadd.s32 $0xFFFFE000  }
0x3d: {  	_ =	swait.ge [sflag:s18], $0x2000  }
0x3e: {  	[sflag:s18] =	ssyncset.done $0x0  }
0x3f: {  	[sflag:s18] =	ssyncadd.s32 $0xFFFFE000  }
0x40: {  	_ =	swait.ge [sflag:s18], $0x2000  }
0x41: {  	[sflag:s18] =	ssyncset.done $0x0  }
0x42: {  	[sflag:s18] =	ssyncadd.s32 $0xFFFFE000  }
0x43: {  	_ =	swait.ge [sflag:s18], $0x2000  }
0x44: {  	[sflag:s18] =	ssyncset.done $0x0  }
0x45: {  	[sflag:s18] =	ssyncadd.s32 $0xFFFFE000  }
0x46: {  	_ =	swait.ge [sflag:s18], $0x2000  }
0x47: {  	s21 =	simm.s32 $0xFFFE3000;
	s20 =	simm.s32 $0xFFFF8800;
	[sflag:s18] =	ssyncset.done $0x0  }
.LBB2_4:
0x48: {  	s22 =	sadd.s32 $0x8000, s20  }
0x49: {  	[sflag:s18] =	ssyncadd.s32 $0xFFFFE000;
	s23 =	smov.u32 s21;
	s24 =	sadd.s32 $0x1000, s21  }
0x4a: {  	[tilespmem:s9], [sflag:$0x1] =	stream.indirect.gather.add.f32 [hbm:s1], $0x80, s22, s8, $0xb8;
	[tilespmem:$0x12000] =	vst v63  }
0x4b: {  	p0 =	sne.s32 s21, $0xFFFFF000;
	s21 =	sadd.s32 $0x8080, s20  }
0x4c: {  	[tilespmem:s11], [sflag:$0x1] =	stream.indirect.gather.add.f32 [hbm:s1], $0x80, s21, s8, $0xb8;
	[tilespmem:$0x12000] =	vst v63  }
0x4d: {  	s21 =	sadd.s32 $0x8100, s20  }
0x4e: {  	[tilespmem:s13], [sflag:$0x1] =	stream.indirect.gather.add.f32 [hbm:s1], $0x80, s21, s8, $0xb8;
	[tilespmem:$0x12000] =	vst v63  }
0x4f: {  	s21 =	sadd.s32 $0x8180, s20  }
0x50: {  	[tilespmem:s15], [sflag:$0x1] =	stream.indirect.gather.add.f32 [hbm:s1], $0x80, s21, s8, $0xb8;
	[tilespmem:$0x12000] =	vst v63  }
0x51: {  	s20 =	sadd.s32 $0x8200, s20  }
0x52: {  	[tilespmem:s17], [sflag:$0x1] =	stream.indirect.gather.add.f32 [hbm:s1], $0x80, s20, s8, $0xb8;
	[tilespmem:$0x12000] =	vst v63  }
0x53: {  	_ =	swait.ge [sflag:s18], $0x2000  }
0x54: {  	[sflag:s18] =	ssyncset.done $0x0  }
0x55: {  	[sflag:s18] =	ssyncadd.s32 $0xFFFFE000  }
0x56: {  	_ =	swait.ge [sflag:s18], $0x2000  }
0x57: {  	[sflag:s18] =	ssyncset.done $0x0  }
0x58: {  	[sflag:s18] =	ssyncadd.s32 $0xFFFFE000  }
0x59: {  	_ =	swait.ge [sflag:s18], $0x2000  }
0x5a: {  	[sflag:s18] =	ssyncset.done $0x0  }
0x5b: {  	[sflag:s18] =	ssyncadd.s32 $0xFFFFE000  }
.Ltmp1:
0x5c: {  	_ =	swait.ge [sflag:s18], $0x2000;
	(pc) =	sbr.rel @p0 .LBB2_4-.Ltmp1, $4  }
0x5d: {  	[sflag:s18] =	ssyncset.done $0x0  }
0x5e: {  	[sflag:s18] =	ssyncadd.s32 $0xFFFFE000  }
0x5f: {  	_ =	swait.ge [sflag:s18], $0x2000  }
0x60: {  	s21 =	smov.u32 s24;
	s20 =	sshra.s32 s23, $0x2;
	[sflag:s18] =	ssyncset.done $0x0  }
0x61: {  	s21 =	sadd.s32 $0x8000, s20;
	[sflag:s18] =	ssyncadd.s32 $0xFFFFE000  }
0x62: {  	[tilespmem:s9], [sflag:$0x1] =	stream.indirect.gather.add.f32 [hbm:s1], $0x80, s21, s8, $0xb8;
	[tilespmem:$0x12000] =	vst v63  }
0x63: {  	s28 =	sadd.s32 $0x8080, s20  }
0x64: {  	[tilespmem:s11], [sflag:$0x1] =	stream.indirect.gather.add.f32 [hbm:s1], $0x80, s28, s8, $0xb8;
	[tilespmem:$0x12000] =	vst v63  }
0x65: {  	s29 =	sadd.s32 $0x8100, s20  }
0x66: {  	[tilespmem:s13], [sflag:$0x1] =	stream.indirect.gather.add.f32 [hbm:s1], $0x80, s29, s8, $0xb8;
	[tilespmem:$0x12000] =	vst v63  }
0x67: {  	s30 =	sadd.s32 $0x8180, s20  }
0x68: {  	[tilespmem:s15], [sflag:$0x1] =	stream.indirect.gather.add.f32 [hbm:s1], $0x80, s30, s8, $0xb8;
	[tilespmem:$0x12000] =	vst v63  }
0x69: {  	s31 =	sadd.s32 $0x8200, s20  }
0x6a: {  	[tilespmem:s17], [sflag:$0x1] =	stream.indirect.gather.add.f32 [hbm:s1], $0x80, s31, s8, $0xb8;
	[tilespmem:$0x12000] =	vst v63  }
0x6b: {  	_ =	swait.ge [sflag:s18], $0x2000  }
0x6c: {  	[sflag:s18] =	ssyncset.done $0x0  }
0x6d: {  	[sflag:s18] =	ssyncadd.s32 $0xFFFFE000  }
0x6e: {  	_ =	swait.ge [sflag:s18], $0x2000  }
0x6f: {  	[sflag:s18] =	ssyncset.done $0x0  }
0x70: {  	[sflag:s18] =	ssyncadd.s32 $0xFFFFE000  }
0x71: {  	_ =	swait.ge [sflag:s18], $0x2000  }
0x72: {  	[sflag:s18] =	ssyncset.done $0x0  }
0x73: {  	[sflag:s18] =	ssyncadd.s32 $0xFFFFE000  }
0x74: {  	_ =	swait.ge [sflag:s18], $0x2000  }
0x75: {  	[sflag:s18] =	ssyncset.done $0x0  }
0x76: {  	[sflag:s18] =	ssyncadd.s32 $0xFFFFE000  }
0x77: {  	s19 =	sadd.s32 $0x1, s19;
	_ =	swait.ge [sflag:s18], $0x2000  }
0x78: {  	p0 =	sne.s32 s19, s6;
	[sflag:s18] =	ssyncset.done $0x0  }
.Ltmp2:
0x79: {  	[sflag:s18] =	ssyncadd.s32 $0xFFFFE000;
	(pc) =	sbr.rel @p0 .LBB2_1-.Ltmp2, $4  }
0x7a: {  	[hbm4b:s5+s3] =	stream.linear.scatter [tilespmem:s9], [sflag:$0x2], $0xA000, $0x38;
	[tilespmem:$0x12000] =	vst v63  }
0x7b: {  	_ =	swait.ge [sflag:s7], $0xA000  }
0x7c: {  	[sflag:s7] =	ssyncset.done $0x0  }
0x7d: {  	[sflag:s7] =	ssyncadd.s32 $0xFFFF6000  }
0x7e: {  	_ =	sfence.sel $0x180000  }
0x7f: {  	[bflag:$0x0] =	sbarrier.arrive $0xFFFF  }
0x80: {  	p0 =	sne.s32 s0, $0x0;
	_ =	strace $0x90000047  }
0x81: {  	s0 =	sadd.s32 @!p0 $0x100000, s2;
	[bflag:$0x2] =	sbarrier.arrive $0xFFFF  }
0x82: {  	[sflag:s0] =	ssyncadd.tile.s32 @!p0 $0x1;
	_ =	shalt  }
.Lfunc_end2:
_tile_overlayer_lowered:
.L_overlay_start_2:
0x83: {  	(tag) =	ssettag $0x2  }
0x84: {  	s0 =	rddreg [dreg:$0x0];
	s2 =	stileid.u32  }
0x85: {  	s1 =	rddreg [dreg:$0x1];
	p0 =	sne.s32 s2, $0x0  }
0x86: {  	s3 =	rddreg [dreg:$0x2];
	[bflag:$0x3] =	sbarrier.arrive $0xFFFF;
	s2 =	simm.s32 @!p0 $0x1C02  }
0x87: {  	[timem:s3], [sflag:s2] =	dma.local @!p0 [hbm:s0], s1  }
0x88: {  	s0 =	simm.s32 @!p0 $0x2  }
0x89: {  	_ =	swait.ge @!p0 [sflag:s0], s1  }
0x8a: {  	s1 =	ssub.s32 @!p0 $0x0, s1;
	[sflag:s0] =	ssyncset.done @!p0 $0x0  }
0x8b: {  	[sflag:s0] =	ssyncadd.s32 @!p0 s1  }
0x8c: {  	[bflag:$0x3] =	sbarrier.arrive $0xFFFF  }
0x8d: {  	_ =	shalt  }

</sc_bundles>
